<compile_context>
chip_gen: v7x
topology: tpu7x:2x2x1
jax: 0.10.2.dev20260603
libtpu: 0.0.44.dev20260713+nightly
codegen_flags: <defaults>
</compile_context>

<pallas_src>
import jax
import jax.numpy as jnp
from jax import lax
from jax.experimental import pallas as pl
from jax.experimental.pallas import tpu as pltpu
from jax.experimental.pallas import tpu_sc as plsc

_N = 256
_L = 16


def _d_kernel(e_ref, d_ref):
    e = e_ref[:]
    g = lax.dot_general(e, e, (((1,), (1,)), ((), ())),
                        preferred_element_type=jnp.float32)
    r = jnp.sum(e * e, axis=1, keepdims=True)
    d_ref[:] = r + jnp.transpose(r) - 2.0 * g


def _sc_body(d_hbm, t_hbm, out_hbm, row_v, res_v):
    cid = lax.axis_index("c")
    sid = lax.axis_index("s")
    wid = cid * 16 + sid
    pltpu.sync_copy(d_hbm.at[pl.ds(wid * 16, _L)], row_v)
    res_v[...] = row_v[...] + 1.0
    @pl.when(sid == 0)
    def _():
        pltpu.sync_copy(res_v, out_hbm.at[pl.ds(cid * _L, _L)])


@jax.jit
def kernel(embeddings, target):
    n, _ = embeddings.shape
    d = pl.pallas_call(
        _d_kernel,
        out_shape=jax.ShapeDtypeStruct((n, n), jnp.float32),
    )(embeddings)
    sck = pl.kernel(
        _sc_body,
        out_type=jax.ShapeDtypeStruct((2 * _L,), jnp.float32),
        mesh=plsc.VectorSubcoreMesh(core_axis_name="c", subcore_axis_name="s"),
        scratch_types=[
            pltpu.VMEM((_L,), jnp.float32),
            pltpu.VMEM((_L,), jnp.float32),
        ],
    )
    o = sck(d.reshape(-1), target)
    return o[0] + o[16] + 0.0 * o[1]

# --- scband reference (transcript-rebuilt; emitter-appended) ---
"""Pipeline reference for scband-online-triplet-loss-13477607375232 (READ-ONLY COPY).

The authoritative reference and input builder live on the scoring server;
editing this copy changes nothing except your own understanding.
"""

import jax, jax.numpy as jnp
import numpy as np
from itertools import combinations

MARGIN = 1.0


def _get_triplets(labels_np):
    triplets = []
    for label in set(labels_np.tolist()):
        label_mask = labels_np == label
        label_indices = np.where(label_mask)[0]
        if len(label_indices) < 2:
            continue
        negative_indices = np.where(np.logical_not(label_mask))[0]
        anchor_positives = list(combinations(label_indices, 2))
        temp = [[ap[0], ap[1], n] for ap in anchor_positives for n in negative_indices]
        triplets += temp
    return np.array(triplets, dtype=np.int32)


def setup_inputs(seed: int = 0):
    key = jax.random.key(seed)
    k1, k2 = jax.random.split(key)
    embeddings = jax.random.normal(k1, (256, 128), dtype=jnp.float32)
    target = jax.random.randint(k2, (256,), 0, 32, dtype=jnp.int32)
    return {"embeddings": embeddings, "target": target}


def reference(embeddings, target):
    n = target.shape[0]
    same = target[:, None] == target[None, :]
    idx = jnp.arange(n)
    upper = idx[:, None] < idx[None, :]
    diffs = embeddings[:, None, :] - embeddings[None, :, :]
    D = jnp.sum(diffs ** 2, axis=-1)
    losses = jax.nn.relu(D[:, :, None] - D[:, None, :] + MARGIN)
    mask = ((same & upper)[:, :, None] & (~same)[:, None, :]).astype(losses.dtype)
    total = jnp.sum(losses * mask)
    count = jnp.sum(mask)
    return total / count

if __name__ == "__main__":
    import jax
    _d = setup_inputs()
    print(jax.jit(kernel)(*tuple(_d.values())))

</pallas_src>

<mosaic_0001>
#map = affine_map<(d0, d1) -> (0)>
module attributes {stable_mosaic.version = 14 : i64} {
  func.func @_sc_body(%arg0: i32, %arg1: i32, %arg2: memref<65536xf32, #tpu.memory_space<hbm>>, %arg3: memref<256xi32, #tpu.memory_space<hbm>>, %arg4: memref<32xf32, #tpu.memory_space<hbm>>, %arg5: memref<16xf32, #tpu.memory_space<vmem>>, %arg6: memref<16xf32, #tpu.memory_space<vmem>>) attributes {dimension_semantics = [#tpu.dimension_semantics<core_parallel>, #tpu.dimension_semantics<subcore_parallel>], iteration_bounds = array<i64: 2, 16>, scalar_prefetch = 0 : i64, scratch_operands = 2 : i64, tpu.core_type = #tpu.core_type<sc_vector_subcore>, window_params = [{transform_indices = #map}, {transform_indices = #map}, {transform_indices = #map}]} {
    %mul3A = arith.constant 16 : i32
    %mul3A_0 = arith.muli %arg0, %mul3A : i32
    %add3A = arith.addi %mul3A_0, %arg1 : i32
    %mul3A_1 = arith.constant 16 : i32
    %mul3A_2 = arith.muli %add3A, %mul3A_1 : i32
    "tpu.region"() ({
      %run_scoped3A = tpu.sem_alloc : memref<!tpu.dma_semaphore, #tpu.memory_space<semaphore_mem>>
      %dma_start3A = tpu.memref_slice %arg2[%mul3A_2] : memref<65536xf32, #tpu.memory_space<hbm>> -> memref<16xf32, #tpu.memory_space<hbm>>
      %dma_start3A_13 = tpu.memref_slice %arg2[%mul3A_2] : memref<65536xf32, #tpu.memory_space<hbm>> -> memref<16xf32, #tpu.memory_space<hbm>>
      tpu.enqueue_dma source(%dma_start3A_13 : memref<16xf32, #tpu.memory_space<hbm>>) target(%arg5 : memref<16xf32, #tpu.memory_space<vmem>>) target_semaphore(%run_scoped3A : memref<!tpu.dma_semaphore, #tpu.memory_space<semaphore_mem>>)
      %dma_wait3A = tpu.memref_slice %arg2[%mul3A_2] : memref<65536xf32, #tpu.memory_space<hbm>> -> memref<16xf32, #tpu.memory_space<hbm>>
      %dma_wait3A_14 = tpu.memref_slice %arg2[%mul3A_2] : memref<65536xf32, #tpu.memory_space<hbm>> -> memref<16xf32, #tpu.memory_space<hbm>>
      tpu.wait_dma2 semaphore(%run_scoped3A : memref<!tpu.dma_semaphore, #tpu.memory_space<semaphore_mem>>) src(%dma_wait3A_14 : memref<16xf32, #tpu.memory_space<hbm>>) dst(%arg5 : memref<16xf32, #tpu.memory_space<vmem>>)
      tpu.yield
    }) : () -> ()
    %get3A = arith.constant 0 : index
    %get3A_3 = tpu.vector_load %arg5[%get3A] {strides = array<i32>} : memref<16xf32, #tpu.memory_space<vmem>>, vector<16xf32>,
    %get3A_4 = vector.shape_cast %get3A_3 : vector<16xf32> to vector<16xf32>
    %add3A_5 = arith.constant 1.000000e+00 : f32
    %add3A_6 = vector.broadcast %add3A_5 : f32 to vector<16xf32>
    %add3A_7 = arith.addf %get3A_4, %add3A_6 : vector<16xf32>
    %swap3A = arith.constant 0 : index
    %swap3A_8 = tpu.vector_load %arg6[%swap3A] {strides = array<i32>} : memref<16xf32, #tpu.memory_space<vmem>>, vector<16xf32>,
    %swap3A_9 = vector.shape_cast %swap3A_8 : vector<16xf32> to vector<16xf32>
    %swap3A_10 = vector.shape_cast %add3A_7 : vector<16xf32> to vector<16xf32>
    tpu.vector_store %arg6[%swap3A], %swap3A_10 {strides = array<i32>} : memref<16xf32, #tpu.memory_space<vmem>>, vector<16xf32>,
    %eq3A = arith.constant 0 : i32
    %eq3A_11 = arith.cmpi eq, %arg1, %eq3A : i32
    %convert_element_type3A = arith.extui %eq3A_11 : i1 to i32
    %cond3A = arith.constant 0 : i32
    %cond3A_12 = arith.cmpi ne, %convert_element_type3A, %cond3A : i32
    scf.if %cond3A_12 {
      %mul3A_13 = arith.constant 16 : i32
      %mul3A_14 = arith.muli %arg0, %mul3A_13 : i32
      "tpu.region"() ({
        %run_scoped3A = tpu.sem_alloc : memref<!tpu.dma_semaphore, #tpu.memory_space<semaphore_mem>>
        %dma_start3A = tpu.memref_slice %arg4[%mul3A_14] : memref<32xf32, #tpu.memory_space<hbm>> -> memref<16xf32, #tpu.memory_space<hbm>>
        %dma_start3A_15 = tpu.memref_slice %arg4[%mul3A_14] : memref<32xf32, #tpu.memory_space<hbm>> -> memref<16xf32, #tpu.memory_space<hbm>>
        tpu.enqueue_dma source(%arg6 : memref<16xf32, #tpu.memory_space<vmem>>) target(%dma_start3A_15 : memref<16xf32, #tpu.memory_space<hbm>>) target_semaphore(%run_scoped3A : memref<!tpu.dma_semaphore, #tpu.memory_space<semaphore_mem>>)
        %dma_wait3A = tpu.memref_slice %arg4[%mul3A_14] : memref<32xf32, #tpu.memory_space<hbm>> -> memref<16xf32, #tpu.memory_space<hbm>>
        %dma_wait3A_16 = tpu.memref_slice %arg4[%mul3A_14] : memref<32xf32, #tpu.memory_space<hbm>> -> memref<16xf32, #tpu.memory_space<hbm>>
        tpu.wait_dma2 semaphore(%run_scoped3A : memref<!tpu.dma_semaphore, #tpu.memory_space<semaphore_mem>>) src(%arg6 : memref<16xf32, #tpu.memory_space<vmem>>) dst(%dma_wait3A_16 : memref<16xf32, #tpu.memory_space<hbm>>)
        tpu.yield
      }) : () -> ()
    } else {
    }
    return
  }
}

module attributes {stable_mosaic.version = 14 : i64} {
  func.func @_d_kernel(%arg0: memref<256x128xf32, #tpu.memory_space<vmem>>, %arg1: memref<256x256xf32, #tpu.memory_space<vmem>>) attributes {dimension_semantics = [], scalar_prefetch = 0 : i64, scratch_operands = 0 : i64, tpu.core_type = #tpu.core_type<tc>} {
    %get3A = arith.constant 0 : index
    %get3A_0 = arith.constant 0 : index
    %get3A_1 = vector.load %arg0[%get3A, %get3A_0] : memref<256x128xf32, #tpu.memory_space<vmem>>, vector<256x128xf32>
    %dot_general3A = arith.constant dense<0.000000e+00> : vector<256x256xf32>
    %dot_general3A_2 = tpu.matmul %get3A_1, %get3A_1, %dot_general3A {dimension_numbers = #tpu.dot_dimension_numbers<[1], [1], [0], [0], [0, 0, 1, 0], [], []>, transpose_lhs_hint = false} : vector<256x128xf32>, vector<256x128xf32>, vector<256x256xf32> -> vector<256x256xf32>
    %mul3A = arith.mulf %get3A_1, %get3A_1 : vector<256x128xf32>
    %reduce_sum3A = arith.constant dense<0.000000e+00> : vector<256xf32>
    %reduce_sum3A_3 = vector.multi_reduction <add>, %mul3A, %reduce_sum3A [1] : vector<256x128xf32> to vector<256xf32>
    %broadcast_in_dim3A = vector.shape_cast %reduce_sum3A_3 : vector<256xf32> to vector<256x1xf32>
    %transpose3A = tpu.transpose %broadcast_in_dim3A, [1, 0] : vector<256x1xf32> -> vector<1x256xf32>
    %add3A = vector.broadcast %broadcast_in_dim3A : vector<256x1xf32> to vector<256x256xf32>
    %add3A_4 = vector.broadcast %transpose3A : vector<1x256xf32> to vector<256x256xf32>
    %add3A_5 = arith.addf %add3A, %add3A_4 : vector<256x256xf32>
    %mul3A_6 = arith.constant 2.000000e+00 : f32
    %mul3A_7 = vector.broadcast %mul3A_6 : f32 to vector<256x256xf32>
    %mul3A_8 = arith.mulf %mul3A_7, %dot_general3A_2 : vector<256x256xf32>
    %sub3A = arith.subf %add3A_5, %mul3A_8 : vector<256x256xf32>
    %swap3A = arith.constant 0 : index
    %swap3A_9 = arith.constant 0 : index
    %swap3A_10 = vector.load %arg1[%swap3A, %swap3A_9] : memref<256x256xf32, #tpu.memory_space<vmem>>, vector<256x256xf32>
    tpu.vector_store %arg1[%swap3A, %swap3A_9], %sub3A {strides = array<i32>} : memref<256x256xf32, #tpu.memory_space<vmem>>, vector<256x256xf32>,
    return
  }
}

</mosaic_0001>

<sc_bundles>
// kernel: kernel.4.cloned.1.call-start
scs
__scs_entry_jumppad:
0x0: {  	(pc) =	sbr.rel $0x88, $3  }
0x1: {  	(tag) =	ssettag $0x0;
	lr =	simm.s32 $0x1  }
0x2: {  	[smem:$0x3F9F] =	sst lr;
	_ =	strace $0xD0000000  }
0x3: {  	_ = 	snop  }
0x4: {  	_ = 	snop  }
0x5: {  	_ = 	snop  }
0x6: {  	_ = 	snop  }
0x7: {  	_ = 	snop  }
__scs_overlays_trampoline_lowered:
0x8: {  	[smem:$0x3FAE] =	sst s0  }
0x9: {  	[smem:$0x3FAF] =	sst s1  }
0xa: {  	[smem:$0x3FB0] =	sst s2  }
0xb: {  	[smem:$0x3FB1] =	sst s3  }
0xc: {  	[smem:$0x3FB2] =	sst s4  }
0xd: {  	[smem:$0x3FB3] =	sst s5  }
0xe: {  	[smem:$0x3FB4] =	sst s6  }
0xf: {  	[smem:$0x3FB5] =	sst s7  }
0x10: {  	[smem:$0x3FB6] =	sst s8  }
0x11: {  	[smem:$0x3FB7] =	sst s9;
	s0 =	simm.s32 @!p0 $0x0  }
0x12: {  	s1 =	sld [smem:$0x3F9D];
	s0 =	simm.s32 @p0 $0x1  }
0x13: {  	[smem:$0x3FB8] =	sst s0;
	s0 =	simm.s32 @!p1 $0x0  }
0x14: {  	s2 =	sld [smem:$0x3F9C];
	s0 =	simm.s32 @p1 $0x1  }
0x15: {  	[smem:$0x3FB9] =	sst s0;
	s0 =	simm.s32 @!p2 $0x0  }
0x16: {  	s3 =	sld [smem:$0x3FDB];
	s0 =	simm.s32 @p2 $0x1  }
0x17: {  	s4 =	simm.s32 $0x1BF5;
	[smem:$0x3FBB] =	sst s0  }
0x18: {  	s0 =	sld [smem:$0x3F9E];
	_ =	swait.ge [sflag:s4], $0x0  }
0x19: {  	s7 =	sld [smem:$0x3F9F]  }
0x1a: {  	s8 =	sadd.s32 $0xFFFFE003, lr  }
0x1b: {  	s9 =	sadd.s32 $0xFFFFFEF7, lr;
	s5 =	simm.s32 $0xFFFFFFFF;
	p2 =	slt.u32 s8, $0xFFFFF086  }
0x1c: {  	p1 =	slt.u32 s9, $0xF7A;
	s5 =	simm.s32 @!p2 $0x0  }
0x1d: {  	s5 =	simm.s32 @p1 $0x1;
	p0 =	seq.s32 s7, s2  }
0x1e: {  	s7 =	smul.u32 @!p0 $0xF7A, s2;
	p2 =	seq.s32 @!p0 s5, $0x0  }
0x1f: {  	s9 =	smul.u32 $0xF7A, s1;
	s8 =	simm.s32 @!p0 $0x1BF5;
	p2 =	por !p2, p0  }
0x20: {  	[sflag:s8] =	ssyncset.s32 @!p0 $0xFFFFF086;
	s6 =	sadd.s32 @!p0 s3, s7;
	s7 =	simm.s32 @!p0 $0x108  }
0x21: {  	s3 =	sadd.s32 s3, s9;
	s6 =	sadd.s32 @!p0 $0x88, s6;
	s7 =	simm.s32 @p2 $0x1082  }
0x22: {  	[simem:s7], [sflag:s8] =	dma.local @!p0 [hbm:s6], $0xF7A  }
0x23: {  	s9 =	sor.u32 $0xD0000000, s2;
	s6 =	simm.s32 $0x108;
	_ =	swait.ge @!p0 [sflag:s8], $0x0  }
0x24: {  	s3 =	sadd.s32 $0x88, s3;
	s6 =	simm.s32 @!p1 $0x1082;
	[sflag:s4] =	ssyncset.s32 $0xFFFFF086  }
0x25: {  	[simem:s6], [sflag:s4] =	dma.local [hbm:s3], $0xF7A  }
0x26: {  	[smem:$0x3F9F] =	sst s1;
	(tag) =	ssettag s2;
	_ =	strace s9  }
0x27: {  	s1 =	sld [smem:$0x3FAF]  }
0x28: {  	s2 =	sld [smem:$0x3FB0]  }
0x29: {  	s4 =	sld [smem:$0x3FB2]  }
0x2a: {  	p0 =	seq.s32 s5, $0x0;
	s5 =	sld [smem:$0x3FB3]  }
0x2b: {  	s6 =	sld [smem:$0x3FB4]  }
0x2c: {  	s7 =	sld [smem:$0x3FB5]  }
0x2d: {  	s3 =	simm.s32 $0x108;
	s8 =	sld [smem:$0x3FB6]  }
0x2e: {  	s3 =	simm.s32 @!p0 $0x1082;
	s9 =	sld [smem:$0x3FB7]  }
0x2f: {  	lr =	sadd.s32 s0, s3;
	s0 =	sld [smem:$0x3FAE]  }
0x30: {  	s3 =	sld [smem:$0x3FB1]  }
0x31: {  	[smem:$0x3FBA] =	sst s10  }
0x32: {  	s10 =	sld [smem:$0x3FB8];
	_ =	sdelay $0x3  }
0x33: {  	p0 =	seq.s32 s10, $0x1;
	s10 =	sld [smem:$0x3FBA];
	_ =	sdelay $0x3  }
0x34: {  	[smem:$0x3FBA] =	sst s10  }
0x35: {  	s10 =	sld [smem:$0x3FB9];
	_ =	sdelay $0x3  }
0x36: {  	p1 =	seq.s32 s10, $0x1;
	s10 =	sld [smem:$0x3FBA];
	_ =	sdelay $0x3  }
0x37: {  	[smem:$0x3FBA] =	sst s10  }
0x38: {  	s10 =	sld [smem:$0x3FBB]  }
0x39: {  	_ = 	snop;
	(pc) =	sbr.ind lr, $3  }
0x3a: {  	_ = 	snop  }
0x3b: {  	_ = 	snop  }
0x3c: {  	p2 =	seq.s32 s10, $0x1;
	s10 =	sld [smem:$0x3FBA]  }
0x3d: {  	_ =	shalt  }
0x3e: {  	_ =	shalt  }
0x3f: {  	_ =	shalt  }
0x40: {  	_ =	shalt  }
0x41: {  	_ =	shalt  }
0x42: {  	_ =	shalt  }
0x43: {  	_ =	shalt  }
0x44: {  	_ =	shalt  }
0x45: {  	_ =	shalt  }
0x46: {  	_ =	shalt  }
0x47: {  	_ =	shalt  }
0x48: {  	_ =	shalt  }
0x49: {  	_ =	shalt  }
0x4a: {  	_ =	shalt  }
0x4b: {  	_ =	shalt  }
0x4c: {  	_ =	shalt  }
0x4d: {  	_ =	shalt  }
0x4e: {  	_ =	shalt  }
0x4f: {  	_ =	shalt  }
0x50: {  	_ =	shalt  }
0x51: {  	_ =	shalt  }
0x52: {  	_ =	shalt  }
0x53: {  	_ =	shalt  }
0x54: {  	_ =	shalt  }
0x55: {  	_ =	shalt  }
0x56: {  	_ =	shalt  }
0x57: {  	_ =	shalt  }
0x58: {  	_ =	shalt  }
0x59: {  	_ =	shalt  }
0x5a: {  	_ =	shalt  }
0x5b: {  	_ =	shalt  }
0x5c: {  	_ =	shalt  }
0x5d: {  	_ =	shalt  }
0x5e: {  	_ =	shalt  }
0x5f: {  	_ =	shalt  }
0x60: {  	_ =	shalt  }
0x61: {  	_ =	shalt  }
0x62: {  	_ =	shalt  }
0x63: {  	_ =	shalt  }
0x64: {  	_ =	shalt  }
0x65: {  	_ =	shalt  }
0x66: {  	_ =	shalt  }
0x67: {  	_ =	shalt  }
0x68: {  	_ =	shalt  }
0x69: {  	_ =	shalt  }
0x6a: {  	_ =	shalt  }
0x6b: {  	_ =	shalt  }
0x6c: {  	_ =	shalt  }
0x6d: {  	_ =	shalt  }
0x6e: {  	_ =	shalt  }
0x6f: {  	_ =	shalt  }
0x70: {  	_ =	shalt  }
0x71: {  	_ =	shalt  }
0x72: {  	_ =	shalt  }
0x73: {  	_ =	shalt  }
0x74: {  	_ =	shalt  }
0x75: {  	_ =	shalt  }
0x76: {  	_ =	shalt  }
0x77: {  	_ =	shalt  }
0x78: {  	_ =	shalt  }
0x79: {  	_ =	shalt  }
0x7a: {  	_ =	shalt  }
0x7b: {  	_ =	shalt  }
0x7c: {  	_ =	shalt  }
0x7d: {  	_ =	shalt  }
0x7e: {  	_ =	shalt  }
0x7f: {  	_ =	shalt  }
0x80: {  	_ =	shalt  }
0x81: {  	_ =	shalt  }
0x82: {  	_ =	shalt  }
0x83: {  	_ =	shalt  }
0x84: {  	_ =	shalt  }
0x85: {  	_ =	shalt  }
0x86: {  	_ =	shalt  }
0x87: {  	_ =	shalt  }
.Lfunc_end0:
.L_simem_size_0:
called_computation_lowered:
.L_overlay_start_0:
0x88: {  	s2 =	sld [smem:$0x3FD9]  }
0x89: {  	s3 =	sld [smem:$0x3FFE];
	_ =	sdelay $0x1  }
0x8a: {  	s1 =	srdreg.scid  }
0x8b: {  	s0 =	sand.u32 $0x1, s1  }
0x8c: {  	s16 =	sshll.u32 s0, $0xA;
	s2 =	sadd.s32 s3, s2  }
0x8d: {  	s2 =	sadd.s32 s2, s16  }
0x8e: {  	[smem:$0x3FC6] =	sst s2  }
0x8f: {  	_ = 	snop  }
0x90: {  	(tm) =	ssettm $0x1  }
0x91: {  	s17 =	sld [smem:$0x3FFB];
	_ =	sdelay $0x3  }
0x92: {  	_ =	strace s17  }
0x93: {  	s2 =	sld [smem:$0x3FFC];
	_ =	sdelay $0x3  }
0x94: {  	_ =	strace s2  }
0x95: {  	s2 =	sld [smem:$0x3FFD];
	_ =	sdelay $0x3  }
0x96: {  	_ =	strace s2  }
0x97: {  	_ =	strace $0x8FFFFFFF  }
0x98: {  	s18 =	sld [smem:$0x3FDB];
	_ =	sdelay $0x1  }
0x99: {  	s19 =	simm.s32 $_scs_section_size  }
0x9a: {  	s4 =	simm.s32 $_size__tile_overlayer_lowered;
	s5 =	simm.s32 $_tile_overlayer_lowered  }
0x9b: {  	s22 =	simm.s32 $0x1BFF;
	s21 =	sshll.u32 s5, $0x1;
	s2 =	sadd.s32 s19, s18  }
0x9c: {  	s6 =	simm.s32 $0x0;
	s20 =	sshll.u32 s4, $0x1;
	s4 =	sadd.s32 s21, s2  }
0x9d: {  	[timem:s6], [sflag:s22] =	dma.local [hbm:s4], s20  }
0x9e: {  	_ =	swait.ge [sflag:s22], s20  }
0x9f: {  	s3 =	ssub.s32 $0x0, s20;
	[sflag:s22] =	ssyncset.done $0x0  }
0xa0: {  	[sflag:s22] =	ssyncadd.s32 s3;
	_ =	sdelay $0x1  }
0xa1: {  	s23 =	simm.s32 $0x1B8B  }
0xa2: {  	_ =	swait.ge [sflag:s23], $0x1  }
0xa3: {  	[sflag:s23] =	ssyncset.done $0x0  }
0xa4: {  	s25 =	simm.s32 $0x1B8E;
	s24 =	sld [smem:$0x3FFE];
	[sflag:s23] =	ssyncadd.s32 $0xFFFFFFFF  }
0xa5: {  	s26 =	simm.s32 $execute0_lowered;
	[smem:$0x3FD2] =	sst s25  }
0xa6: {  	s4 =	sshll.u32 s26, $0x1;
	_ =	strace $0x80000046;
	[dreg:$0x1] =	wrdreg $0xFFFFFFFF  }
0xa7: {  	s28 =	simm.s32 $_size_execute0_lowered;
	s2 =	sadd.s32 s2, s4;
	[dreg:$0x0] =	wrdreg $0x0  }
0xa8: {  	s4 =	sshll.u32 s28, $0x1;
	[dreg:$0x2] =	wrdreg s2  }
0xa9: {  	[dreg:$0x3] =	wrdreg s4  }
0xaa: {  	[dreg:$0x4] =	wrdreg $0xC0  }
0xab: {  	_ =	task [dreg:s6], $0x5FFFF  }
0xac: {  	[dreg:$0x1] =	wrdreg $0xFFFFFFFF  }
0xad: {  	[dreg:$0x0] =	wrdreg $0x60  }
0xae: {  	[dreg:$0x2] =	wrdreg s24  }
0xaf: {  	[dreg:$0x3] =	wrdreg $0x9  }
0xb0: {  	_ =	task.clear_ibuf [dreg:s6], $0x4FFFF;
	_ =	strace $0x90000046  }
0xb1: {  	s29 =	simm.s32 $0x9;
	_ =	strace $0x80000048  }
0xb2: {  	_ =	swait.ge [sflag:s29], $0x1  }
0xb3: {  	[sflag:s29] =	ssyncadd.s32 $0xFFFFFFFF  }
0xb4: {  	_ =	strace $0x90000048  }
0xb5: {  	_ =	sfence  }
0xb6: {  	s30 =	sld [smem:$0x0];
	_ =	sdelay $0x2  }
0xb7: {  	s31 =	sshll.u32 s1, $0xD;
	s1 =	sshrl.u32 s1, $0x2  }
0xb8: {  	s3 =	sand.u32 $0x4000, s31;
	s1 =	sadd.s32 s1, s30  }
0xb9: {  	s0 =	sor.u32 s3, s0;
	s1 =	sshll.u32 s1, $0x11  }
0xba: {  	s0 =	sor.u32 s1, s0  }
0xbb: {  	s0 =	sadd.s32 $0x8F2B, s0  }
0xbc: {  	[sflag:s0] =	ssyncadd.remote.s32 $0x1  }
0xbd: {  	_ =	sfence.sel $0xFFFF  }
0xbe: {  	[dreg:$0x0] =	wrdreg $0xFFFFFFFF;
	(pc) =	sbr.abs _section_cstart, $3  }
0xbf: {  	[dreg:$0x1] =	wrdreg $0xFFFFFFFF  }
0xc0: {  	_ =	task.clear_ibuf [dreg:s6], $0x2FFFF;
	_ =	strace $0x9FFFFFFF  }
0xc1: {  	(tm) =	ssettm $0x7FFFFFFF  }
tec
execute0_lowered:
.L_overlay_start_1:
0x0: {  	(tag) =	ssettag $0x1  }
0x1: {  	s4 =	rddreg [dreg:$0x0]  }
0x2: {  	s5 =	stileid.u32;
	s1 =	srdreg.scid  }
0x3: {  	s0 =	rddreg [dreg:$0x1];
	s2 =	sshll.u32 s5, $0x1;
	s6 =	sand.u32 $0x1, s1  }
0x4: {  	s1 =	simm.s32 $0x0;
	s2 =	sadd.s32 s2, s4;
	s3 =	sshll.u32 s6, $0x5  }
0x5: {  	[smem:$0x7FF] =	sst s1;
	s2 =	sadd.s32 s3, s2  }
0x6: {  	_ =	strace $0x80000047;
	s3 =	simm.s32 $0x1;
	s2 =	sadd.s32 $0x800, s2  }
0x7: {  	[tilespmem:s1], [sflag:$0x1] =	stream.linear.gather [hbm4b:s2+s1], $0x10, $0x38;
	[tilespmem:$0x100] =	vst v63  }
0x8: {  	_ =	swait.ge [sflag:s3], $0x10  }
0x9: {  	[sflag:s3] =	ssyncset.done $0x0  }
0xa: {  	[sflag:s3] =	ssyncadd.s32 $0xFFFFFFF0  }
0xb: {  	s7 =	ssub.s32 $0x2, s6;
	v0 =	vld [tilespmem:$0x0]  }
0xc: {  	s8 =	sshrl.u32 s7, $0x1  }
0xd: {  	s7 =	ssub.s32 s7, s8  }
0xe: {  	s6 =	sshll.u32 s6, $0x1;
	s31 =	smax.u32 s7, $0x1  }
0xf: {  	s4 =	sadd.s32 s6, s4;
	s6 =	sadd.s32 $0xFFFFFFFF, s31  }
0x10: {  	p0 =	sne.s32 s5, $0x0;
	p1 =	sne.s32 s6, $0x0;
	v0 =	vadd.f32 $1.000000000e+00, v0  }
.Ltmp0:
0x11: {  	s5 =	simm.s32 @!p0 $0x1;
	(pc) =	sbr.rel @!p1 .LBB2_2-.Ltmp0, $4  }
0x12: {  	s4 =	sadd.s32 $0x2800, s4;
	s8 =	simm.s32 @!p0 $0x80;
	s7 =	simm.s32 @!p0 $0x0;
	[tilespmem:$0x80] =	vst v0  }
0x13: {  	[hbm4b:s4+s7] =	stream.linear.scatter @!p0 [tilespmem:s8], [sflag:$0x1], $0x10, $0x38;
	[tilespmem:$0x100] =	vst v63  }
0x14: {  	_ =	swait.ge @!p0 [sflag:s5], $0x10  }
0x15: {  	[sflag:s5] =	ssyncset.done @!p0 $0x0  }
.LBB2_1:
0x16: {  	s6 =	sadd.s32 $0xFFFFFFFF, s6;
	[sflag:s5] =	ssyncadd.s32 @!p0 $0xFFFFFFF0  }
0x17: {  	[tilespmem:s1], [sflag:$0x1] =	stream.linear.gather [hbm4b:s2+s1], $0x10, $0x38;
	[tilespmem:$0x100] =	vst v63  }
0x18: {  	p1 =	sne.s32 s6, $0x0;
	_ =	swait.ge [sflag:s3], $0x10  }
0x19: {  	[sflag:s3] =	ssyncset.done $0x0  }
0x1a: {  	[sflag:s3] =	ssyncadd.s32 $0xFFFFFFF0  }
0x1b: {  	v0 =	vld [tilespmem:$0x0];
	_ =	sdelay $0x4  }
0x1c: {  	v0 =	vadd.f32 $1.000000000e+00, v0  }
.Ltmp1:
0x1d: {  	(pc) =	sbr.rel @p1 .LBB2_1-.Ltmp1, $4  }
0x1e: {  	[tilespmem:$0x80] =	vst v0  }
0x1f: {  	[hbm4b:s4+s7] =	stream.linear.scatter @!p0 [tilespmem:s8], [sflag:$0x1], $0x10, $0x38;
	[tilespmem:$0x100] =	vst v63  }
0x20: {  	_ =	swait.ge @!p0 [sflag:s5], $0x10  }
0x21: {  	[sflag:s5] =	ssyncset.done @!p0 $0x0  }
.LBB2_2:
0x22: {  	[sflag:s5] =	ssyncadd.s32 @!p0 $0xFFFFFFF0  }
0x23: {  	_ =	sfence.sel $0x180000  }
0x24: {  	[bflag:$0x0] =	sbarrier.arrive $0xFFFF  }
0x25: {  	_ =	strace $0x90000047  }
0x26: {  	s0 =	sadd.s32 @!p0 $0x100000, s0;
	[bflag:$0x2] =	sbarrier.arrive $0xFFFF  }
0x27: {  	[sflag:s0] =	ssyncadd.tile.s32 @!p0 $0x1;
	_ =	shalt  }
.Lfunc_end2:
_tile_overlayer_lowered:
.L_overlay_start_2:
0x28: {  	(tag) =	ssettag $0x2  }
0x29: {  	s0 =	rddreg [dreg:$0x0];
	s2 =	stileid.u32  }
0x2a: {  	s1 =	rddreg [dreg:$0x1];
	p0 =	sne.s32 s2, $0x0  }
0x2b: {  	s3 =	rddreg [dreg:$0x2];
	[bflag:$0x3] =	sbarrier.arrive $0xFFFF;
	s2 =	simm.s32 @!p0 $0x1C01  }
0x2c: {  	[timem:s3], [sflag:s2] =	dma.local @!p0 [hbm:s0], s1  }
0x2d: {  	s0 =	simm.s32 @!p0 $0x1  }
0x2e: {  	_ =	swait.ge @!p0 [sflag:s0], s1  }
0x2f: {  	s1 =	ssub.s32 @!p0 $0x0, s1;
	[sflag:s0] =	ssyncset.done @!p0 $0x0  }
0x30: {  	[sflag:s0] =	ssyncadd.s32 @!p0 s1  }
0x31: {  	[bflag:$0x3] =	sbarrier.arrive $0xFFFF  }
0x32: {  	_ =	shalt  }

</sc_bundles>
